<compile_context>
chip_gen: v7x
topology: tpu7x:2x2x1
jax: 0.10.2.dev20260603
libtpu: 0.0.44.dev20260713+nightly
codegen_flags: <defaults>
</compile_context>

<pallas_src>
import jax
import jax.numpy as jnp
from jax import lax
from jax.experimental import pallas as pl
from jax.experimental.pallas import tpu as pltpu
from jax.experimental.pallas import tpu_sc as plsc

_N, _C, _K = 4, 8192, 2048
_IN_F, _OUT_F = 128, 128
_LANES = 16
_NWORKERS = 32
_MASK_LEN = _N * _C
_SLICE = _MASK_LEN // _NWORKERS
_NIDX = _N * _K


_UNROLL = 4


def _sc_mask_kernel(idx_hbm, mask_hbm, idx_v, buf_v):
    cid = lax.axis_index("c")
    sid = lax.axis_index("s")
    wid = sid * 2 + cid
    n = wid // 8
    cbase = (wid % 8) * _SLICE

    pltpu.sync_copy(idx_hbm.at[pl.ds(n * _K, _K)], idx_v)

    zeros = jnp.zeros((_LANES,), jnp.float32)
    ones = jnp.ones((_LANES,), jnp.float32)

    def zero_body(i, carry):
        buf_v[pl.ds(i * _LANES, _LANES)] = zeros
        return carry

    lax.fori_loop(0, _SLICE // _LANES, zero_body, 0)

    def scan_body(j, carry):
        for u in range(_UNROLL):
            v = idx_v[pl.ds((j * _UNROLL + u) * _LANES, _LANES)]
            m = (v >= cbase) & (v < cbase + _SLICE)
            lidx = jnp.where(m, v - cbase, 0)
            plsc.store_scatter(buf_v, [lidx], ones, mask=m)
        return carry

    lax.fori_loop(0, _K // (_LANES * _UNROLL), scan_body, 0)

    pltpu.sync_copy(buf_v, mask_hbm.at[pl.ds(wid * _SLICE, _SLICE)])


def _build_mask(idx_flat):
    mesh = plsc.VectorSubcoreMesh(core_axis_name="c", subcore_axis_name="s")
    return pl.kernel(
        _sc_mask_kernel,
        mesh=mesh,
        compiler_params=pltpu.CompilerParams(needs_layout_passes=False),
        out_type=jax.ShapeDtypeStruct((_MASK_LEN,), jnp.float32),
        scratch_types=[
            pltpu.VMEM((_K,), jnp.int32),
            pltpu.VMEM((_SLICE,), jnp.float32),
        ],
    )(idx_flat)


_BLK = 16384


def _tc_linear_kernel(x_ref, m_ref, w_ref, b_ref, o_ref):
    y = jax.lax.dot_general(
        x_ref[...],
        w_ref[...],
        (((1,), (1,)), ((), ())),
        preferred_element_type=jnp.float32,
    )
    m = m_ref[...].reshape(_BLK, 1)
    o_ref[...] = jnp.where(m > 0.0, y + b_ref[...], 0.0)


def _masked_linear(x2d, mask, w, bias2d):
    rows = x2d.shape[0]
    return pl.pallas_call(
        _tc_linear_kernel,
        grid=(rows // _BLK,),
        in_specs=[
            pl.BlockSpec((_BLK, _IN_F), lambda i: (i, 0)),
            pl.BlockSpec((_BLK,), lambda i: (i,)),
            pl.BlockSpec((_OUT_F, _IN_F), lambda i: (0, 0)),
            pl.BlockSpec((1, _OUT_F), lambda i: (0, 0)),
        ],
        out_specs=pl.BlockSpec((_BLK, _OUT_F), lambda i: (i, 0)),
        out_shape=jax.ShapeDtypeStruct((rows, _OUT_F), jnp.float32),
    )(x2d, mask, w, bias2d)


@jax.jit
def kernel(input, channel_indices, weight, bias):
    n, c, h = input.shape
    idx_flat = channel_indices.reshape(n * channel_indices.shape[1])
    mask = _build_mask(idx_flat)
    out2d = _masked_linear(
        input.reshape(n * c, h),
        mask,
        weight,
        bias.reshape(1, _OUT_F),
    )
    return out2d.reshape(n, c, _OUT_F)

# --- scband reference (transcript-rebuilt; emitter-appended) ---
"""Pipeline reference for scband-sparse-channel-linear-51290499449145 (READ-ONLY COPY).

The authoritative reference and input builder live on the scoring server;
editing this copy changes nothing except your own understanding.
"""

import jax, jax.numpy as jnp
import numpy as np

N, C, K = 4, 8192, 2048
IN_F, OUT_F = 128, 128


def setup_inputs(seed: int = 0) -> dict:
    key = jax.random.key(seed)
    k1, k2, k3, k4 = jax.random.split(key, 4)
    inp = jax.random.normal(k1, (N, C, IN_F), dtype=jnp.float32)
    channel_indices = jax.random.randint(k2, (N, K, 1), 0, C, dtype=jnp.int32)
    bound = 1.0 / np.sqrt(IN_F)  # kaiming_uniform with a=sqrt(5) -> bound = 1/sqrt(fan_in)
    weight = jax.random.uniform(k3, (OUT_F, IN_F), dtype=jnp.float32, minval=-bound, maxval=bound)
    bias = jax.random.uniform(k4, (OUT_F,), dtype=jnp.float32, minval=-bound, maxval=bound)
    return {"input": inp, "channel_indices": channel_indices, "weight": weight, "bias": bias}


def reference(input, channel_indices, weight, bias):
    Nb, Cc, H = input.shape
    out_f = weight.shape[0]
    Kk = channel_indices.shape[1]
    # gather: sparse_input[n,k,:] = input[n, channel_indices[n,k,0], :]
    gidx = jnp.broadcast_to(channel_indices, (Nb, Kk, H))
    sparse_input = jnp.take_along_axis(input, gidx, axis=1)
    # dense linear on the selected channels
    x = jnp.einsum('nkh,oh->nko', sparse_input, weight) + bias
    # scatter-overwrite back into a zero buffer along dim 1
    idx2 = channel_indices[..., 0]  # (N, K)
    out = jax.vmap(lambda i, s: jnp.zeros((Cc, out_f), dtype=x.dtype).at[i].set(s))(idx2, x)
    return out

if __name__ == "__main__":
    import jax
    _d = setup_inputs()
    print(jax.jit(kernel)(*tuple(_d.values())))

</pallas_src>

<mosaic_0001>
#map = affine_map<(d0, d1) -> (0)>
module attributes {stable_mosaic.version = 14 : i64} {
  func.func @_sc_mask_kernel(%arg0: i32, %arg1: i32, %arg2: memref<8192xi32, #tpu.memory_space<hbm>>, %arg3: memref<32768xf32, #tpu.memory_space<hbm>>, %arg4: memref<2048xi32, #tpu.memory_space<vmem>>, %arg5: memref<1024xf32, #tpu.memory_space<vmem>>) attributes {dimension_semantics = [#tpu.dimension_semantics<core_parallel>, #tpu.dimension_semantics<subcore_parallel>], iteration_bounds = array<i64: 2, 16>, scalar_prefetch = 0 : i64, scratch_operands = 2 : i64, tpu.core_type = #tpu.core_type<sc_vector_subcore>, window_params = [{transform_indices = #map}, {transform_indices = #map}]} {
    %mul3A = arith.constant 2 : i32
    %mul3A_0 = arith.muli %arg1, %mul3A : i32
    %add3A = arith.addi %mul3A_0, %arg0 : i32
    %jit3A = arith.constant 8 : i32
    %div3A = arith.divsi %add3A, %jit3A : i32
    %sign3A = arith.constant 0 : i32
    %sign3A_1 = arith.cmpi sgt, %add3A, %sign3A : i32
    %sign3A_2 = arith.extui %sign3A_1 : i1 to i32
    %sign3A_3 = arith.constant 0 : i32
    %sign3A_4 = arith.cmpi slt, %add3A, %sign3A_3 : i32
    %sign3A_5 = arith.extui %sign3A_4 : i1 to i32
    %sign3A_6 = arith.subi %sign3A_2, %sign3A_5 : i32
    %sign3A_7 = arith.constant 0 : i32
    %sign3A_8 = arith.cmpi sgt, %jit3A, %sign3A_7 : i32
    %sign3A_9 = arith.extui %sign3A_8 : i1 to i32
    %sign3A_10 = arith.constant 0 : i32
    %sign3A_11 = arith.cmpi slt, %jit3A, %sign3A_10 : i32
    %sign3A_12 = arith.extui %sign3A_11 : i1 to i32
    %sign3A_13 = arith.subi %sign3A_9, %sign3A_12 : i32
    %ne3A = arith.cmpi ne, %sign3A_6, %sign3A_13 : i32
    %rem3A = arith.remsi %add3A, %jit3A : i32
    %ne3A_14 = arith.constant 0 : i32
    %ne3A_15 = arith.cmpi ne, %rem3A, %ne3A_14 : i32
    %and3A = arith.andi %ne3A, %ne3A_15 : i1
    %sub3A = arith.constant 1 : i32
    %sub3A_16 = arith.subi %div3A, %sub3A : i32
    %select_n3A = arith.select %and3A, %sub3A_16, %div3A : i32
    %jit3A_17 = arith.constant 8 : i32
    %eq3A = arith.constant 0 : i32
    %eq3A_18 = arith.cmpi eq, %jit3A_17, %eq3A : i32
    %jit3A_19 = arith.constant 1 : i32
    %select_n3A_20 = arith.select %eq3A_18, %jit3A_19, %jit3A_17 : i32
    %rem3A_21 = arith.remsi %add3A, %select_n3A_20 : i32
    %ne3A_22 = arith.constant 0 : i32
    %ne3A_23 = arith.cmpi ne, %rem3A_21, %ne3A_22 : i32
    %lt3A = arith.constant 0 : i32
    %lt3A_24 = arith.cmpi slt, %rem3A_21, %lt3A : i32
    %lt3A_25 = arith.constant 0 : i32
    %lt3A_26 = arith.cmpi slt, %select_n3A_20, %lt3A_25 : i32
    %ne3A_27 = arith.xori %lt3A_24, %lt3A_26 : i1
    %and3A_28 = arith.andi %ne3A_27, %ne3A_23 : i1
    %add3A_29 = arith.addi %rem3A_21, %select_n3A_20 : i32
    %select_n3A_30 = arith.select %and3A_28, %add3A_29, %rem3A_21 : i32
    %mul3A_31 = arith.constant 1024 : i32
    %mul3A_32 = arith.muli %select_n3A_30, %mul3A_31 : i32
    %mul3A_33 = arith.constant 2048 : i32
    %mul3A_34 = arith.muli %select_n3A, %mul3A_33 : i32
    "tpu.region"() ({
      %run_scoped3A = tpu.sem_alloc : memref<!tpu.dma_semaphore, #tpu.memory_space<semaphore_mem>>
      %dma_start3A = tpu.memref_slice %arg2[%mul3A_34] : memref<8192xi32, #tpu.memory_space<hbm>> -> memref<2048xi32, #tpu.memory_space<hbm>>
      %dma_start3A_51 = tpu.memref_slice %arg2[%mul3A_34] : memref<8192xi32, #tpu.memory_space<hbm>> -> memref<2048xi32, #tpu.memory_space<hbm>>
      tpu.enqueue_dma source(%dma_start3A_51 : memref<2048xi32, #tpu.memory_space<hbm>>) target(%arg4 : memref<2048xi32, #tpu.memory_space<vmem>>) target_semaphore(%run_scoped3A : memref<!tpu.dma_semaphore, #tpu.memory_space<semaphore_mem>>)
      %dma_wait3A = tpu.memref_slice %arg2[%mul3A_34] : memref<8192xi32, #tpu.memory_space<hbm>> -> memref<2048xi32, #tpu.memory_space<hbm>>
      %dma_wait3A_52 = tpu.memref_slice %arg2[%mul3A_34] : memref<8192xi32, #tpu.memory_space<hbm>> -> memref<2048xi32, #tpu.memory_space<hbm>>
      tpu.wait_dma2 semaphore(%run_scoped3A : memref<!tpu.dma_semaphore, #tpu.memory_space<semaphore_mem>>) src(%dma_wait3A_52 : memref<2048xi32, #tpu.memory_space<hbm>>) dst(%arg4 : memref<2048xi32, #tpu.memory_space<vmem>>)
      tpu.yield
    }) : () -> ()
    %broadcast_in_dim3A = arith.constant 0.000000e+00 : f32
    %broadcast_in_dim3A_35 = vector.broadcast %broadcast_in_dim3A : f32 to vector<16xf32>
    %broadcast_in_dim3A_36 = arith.constant 1.000000e+00 : f32
    %broadcast_in_dim3A_37 = vector.broadcast %broadcast_in_dim3A_36 : f32 to vector<16xf32>
    %scan3A = arith.constant 0 : i32
    %scan3A_38 = arith.constant 0 : i32
    %scan3A_39 = arith.constant 64 : i32
    %scan3A_40 = arith.addi %scan3A_38, %scan3A_39 : i32
    %scan3A_41 = arith.constant 1 : i32
    scf.for %scan3A_51 = %scan3A_38 to %scan3A_40 step %scan3A_41  : i32 {
      %mul3A_52 = arith.constant 16 : i32
      %mul3A_53 = arith.muli %scan3A_51, %mul3A_52 : i32
      %swap3A = arith.index_cast %mul3A_53 : i32 to index
      %swap3A_54 = tpu.vector_load %arg5[%swap3A] {strides = array<i32>} : memref<1024xf32, #tpu.memory_space<vmem>>, vector<16xf32>,
      tpu.vector_store %arg5[%swap3A], %broadcast_in_dim3A_35 {strides = array<i32>} : memref<1024xf32, #tpu.memory_space<vmem>>, vector<16xf32>,
    }
    %scan3A_42 = arith.constant 64 : i32
    %scan3A_43 = arith.constant 0 : i32
    %scan3A_44 = arith.constant 0 : i32
    %scan3A_45 = arith.constant 32 : i32
    %scan3A_46 = arith.addi %scan3A_44, %scan3A_45 : i32
    %scan3A_47 = arith.constant 1 : i32
    scf.for %scan3A_51 = %scan3A_44 to %scan3A_46 step %scan3A_47  : i32 {
      %mul3A_52 = arith.constant 4 : i32
      %mul3A_53 = arith.muli %scan3A_51, %mul3A_52 : i32
      %add3A_54 = arith.constant 0 : i32
      %add3A_55 = arith.addi %mul3A_53, %add3A_54 : i32
      %mul3A_56 = arith.constant 16 : i32
      %mul3A_57 = arith.muli %add3A_55, %mul3A_56 : i32
      %get3A = arith.index_cast %mul3A_57 : i32 to index
      %get3A_58 = tpu.vector_load %arg4[%get3A] {strides = array<i32>} : memref<2048xi32, #tpu.memory_space<vmem>>, vector<16xi32>,
      %ge3A = vector.broadcast %mul3A_32 : i32 to vector<16xi32>
      %ge3A_59 = arith.cmpi sge, %get3A_58, %ge3A : vector<16xi32>
      %add3A_60 = arith.constant 1024 : i32
      %add3A_61 = arith.addi %mul3A_32, %add3A_60 : i32
      %lt3A_62 = vector.broadcast %add3A_61 : i32 to vector<16xi32>
      %lt3A_63 = arith.cmpi slt, %get3A_58, %lt3A_62 : vector<16xi32>
      %and3A_64 = arith.andi %ge3A_59, %lt3A_63 : vector<16xi1>
      %sub3A_65 = vector.broadcast %mul3A_32 : i32 to vector<16xi32>
      %sub3A_66 = arith.subi %get3A_58, %sub3A_65 : vector<16xi32>
      %jit3A_67 = arith.constant 0 : i32
      %broadcast_in_dim3A_68 = vector.broadcast %jit3A_67 : i32 to vector<16xi32>
      %select_n3A_69 = arith.select %and3A_64, %sub3A_66, %broadcast_in_dim3A_68 : vector<16xi1>, vector<16xi32>
      tpu.vector_store_idx %arg5[%select_n3A_69], %broadcast_in_dim3A_37 masked %and3A_64 : memref<1024xf32, #tpu.memory_space<vmem>>[vector<16xi32>], vector<16xf32>, vector<16xi1>
      %mul3A_70 = arith.constant 4 : i32
      %mul3A_71 = arith.muli %scan3A_51, %mul3A_70 : i32
      %add3A_72 = arith.constant 1 : i32
      %add3A_73 = arith.addi %mul3A_71, %add3A_72 : i32
      %mul3A_74 = arith.constant 16 : i32
      %mul3A_75 = arith.muli %add3A_73, %mul3A_74 : i32
      %get3A_76 = arith.index_cast %mul3A_75 : i32 to index
      %get3A_77 = tpu.vector_load %arg4[%get3A_76] {strides = array<i32>} : memref<2048xi32, #tpu.memory_space<vmem>>, vector<16xi32>,
      %ge3A_78 = vector.broadcast %mul3A_32 : i32 to vector<16xi32>
      %ge3A_79 = arith.cmpi sge, %get3A_77, %ge3A_78 : vector<16xi32>
      %add3A_80 = arith.constant 1024 : i32
      %add3A_81 = arith.addi %mul3A_32, %add3A_80 : i32
      %lt3A_82 = vector.broadcast %add3A_81 : i32 to vector<16xi32>
      %lt3A_83 = arith.cmpi slt, %get3A_77, %lt3A_82 : vector<16xi32>
      %and3A_84 = arith.andi %ge3A_79, %lt3A_83 : vector<16xi1>
      %sub3A_85 = vector.broadcast %mul3A_32 : i32 to vector<16xi32>
      %sub3A_86 = arith.subi %get3A_77, %sub3A_85 : vector<16xi32>
      %jit3A_87 = arith.constant 0 : i32
      %broadcast_in_dim3A_88 = vector.broadcast %jit3A_87 : i32 to vector<16xi32>
      %select_n3A_89 = arith.select %and3A_84, %sub3A_86, %broadcast_in_dim3A_88 : vector<16xi1>, vector<16xi32>
      tpu.vector_store_idx %arg5[%select_n3A_89], %broadcast_in_dim3A_37 masked %and3A_84 : memref<1024xf32, #tpu.memory_space<vmem>>[vector<16xi32>], vector<16xf32>, vector<16xi1>
      %mul3A_90 = arith.constant 4 : i32
      %mul3A_91 = arith.muli %scan3A_51, %mul3A_90 : i32
      %add3A_92 = arith.constant 2 : i32
      %add3A_93 = arith.addi %mul3A_91, %add3A_92 : i32
      %mul3A_94 = arith.constant 16 : i32
      %mul3A_95 = arith.muli %add3A_93, %mul3A_94 : i32
      %get3A_96 = arith.index_cast %mul3A_95 : i32 to index
      %get3A_97 = tpu.vector_load %arg4[%get3A_96] {strides = array<i32>} : memref<2048xi32, #tpu.memory_space<vmem>>, vector<16xi32>,
      %ge3A_98 = vector.broadcast %mul3A_32 : i32 to vector<16xi32>
      %ge3A_99 = arith.cmpi sge, %get3A_97, %ge3A_98 : vector<16xi32>
      %add3A_100 = arith.constant 1024 : i32
      %add3A_101 = arith.addi %mul3A_32, %add3A_100 : i32
      %lt3A_102 = vector.broadcast %add3A_101 : i32 to vector<16xi32>
      %lt3A_103 = arith.cmpi slt, %get3A_97, %lt3A_102 : vector<16xi32>
      %and3A_104 = arith.andi %ge3A_99, %lt3A_103 : vector<16xi1>
      %sub3A_105 = vector.broadcast %mul3A_32 : i32 to vector<16xi32>
      %sub3A_106 = arith.subi %get3A_97, %sub3A_105 : vector<16xi32>
      %jit3A_107 = arith.constant 0 : i32
      %broadcast_in_dim3A_108 = vector.broadcast %jit3A_107 : i32 to vector<16xi32>
      %select_n3A_109 = arith.select %and3A_104, %sub3A_106, %broadcast_in_dim3A_108 : vector<16xi1>, vector<16xi32>
      tpu.vector_store_idx %arg5[%select_n3A_109], %broadcast_in_dim3A_37 masked %and3A_104 : memref<1024xf32, #tpu.memory_space<vmem>>[vector<16xi32>], vector<16xf32>, vector<16xi1>
      %mul3A_110 = arith.constant 4 : i32
      %mul3A_111 = arith.muli %scan3A_51, %mul3A_110 : i32
      %add3A_112 = arith.constant 3 : i32
      %add3A_113 = arith.addi %mul3A_111, %add3A_112 : i32
      %mul3A_114 = arith.constant 16 : i32
      %mul3A_115 = arith.muli %add3A_113, %mul3A_114 : i32
      %get3A_116 = arith.index_cast %mul3A_115 : i32 to index
      %get3A_117 = tpu.vector_load %arg4[%get3A_116] {strides = array<i32>} : memref<2048xi32, #tpu.memory_space<vmem>>, vector<16xi32>,
      %ge3A_118 = vector.broadcast %mul3A_32 : i32 to vector<16xi32>
      %ge3A_119 = arith.cmpi sge, %get3A_117, %ge3A_118 : vector<16xi32>
      %add3A_120 = arith.constant 1024 : i32
      %add3A_121 = arith.addi %mul3A_32, %add3A_120 : i32
      %lt3A_122 = vector.broadcast %add3A_121 : i32 to vector<16xi32>
      %lt3A_123 = arith.cmpi slt, %get3A_117, %lt3A_122 : vector<16xi32>
      %and3A_124 = arith.andi %ge3A_119, %lt3A_123 : vector<16xi1>
      %sub3A_125 = vector.broadcast %mul3A_32 : i32 to vector<16xi32>
      %sub3A_126 = arith.subi %get3A_117, %sub3A_125 : vector<16xi32>
      %jit3A_127 = arith.constant 0 : i32
      %broadcast_in_dim3A_128 = vector.broadcast %jit3A_127 : i32 to vector<16xi32>
      %select_n3A_129 = arith.select %and3A_124, %sub3A_126, %broadcast_in_dim3A_128 : vector<16xi1>, vector<16xi32>
      tpu.vector_store_idx %arg5[%select_n3A_129], %broadcast_in_dim3A_37 masked %and3A_124 : memref<1024xf32, #tpu.memory_space<vmem>>[vector<16xi32>], vector<16xf32>, vector<16xi1>
    }
    %scan3A_48 = arith.constant 32 : i32
    %mul3A_49 = arith.constant 1024 : i32
    %mul3A_50 = arith.muli %add3A, %mul3A_49 : i32
    "tpu.region"() ({
      %run_scoped3A = tpu.sem_alloc : memref<!tpu.dma_semaphore, #tpu.memory_space<semaphore_mem>>
      %dma_start3A = tpu.memref_slice %arg3[%mul3A_50] : memref<32768xf32, #tpu.memory_space<hbm>> -> memref<1024xf32, #tpu.memory_space<hbm>>
      %dma_start3A_51 = tpu.memref_slice %arg3[%mul3A_50] : memref<32768xf32, #tpu.memory_space<hbm>> -> memref<1024xf32, #tpu.memory_space<hbm>>
      tpu.enqueue_dma source(%arg5 : memref<1024xf32, #tpu.memory_space<vmem>>) target(%dma_start3A_51 : memref<1024xf32, #tpu.memory_space<hbm>>) target_semaphore(%run_scoped3A : memref<!tpu.dma_semaphore, #tpu.memory_space<semaphore_mem>>)
      %dma_wait3A = tpu.memref_slice %arg3[%mul3A_50] : memref<32768xf32, #tpu.memory_space<hbm>> -> memref<1024xf32, #tpu.memory_space<hbm>>
      %dma_wait3A_52 = tpu.memref_slice %arg3[%mul3A_50] : memref<32768xf32, #tpu.memory_space<hbm>> -> memref<1024xf32, #tpu.memory_space<hbm>>
      tpu.wait_dma2 semaphore(%run_scoped3A : memref<!tpu.dma_semaphore, #tpu.memory_space<semaphore_mem>>) src(%arg5 : memref<1024xf32, #tpu.memory_space<vmem>>) dst(%dma_wait3A_52 : memref<1024xf32, #tpu.memory_space<hbm>>)
      tpu.yield
    }) : () -> ()
    return
  }
}

module attributes {stable_mosaic.version = 14 : i64} {
  func.func @_tc_linear_kernel(%arg0: i32, %arg1: memref<16384x128xf32, #tpu.memory_space<vmem>>, %arg2: memref<16384xf32, #tpu.memory_space<vmem>>, %arg3: memref<128x128xf32, #tpu.memory_space<vmem>>, %arg4: memref<1x128xf32, #tpu.memory_space<vmem>>, %arg5: memref<16384x128xf32, #tpu.memory_space<vmem>>) attributes {dimension_semantics = [#tpu.dimension_semantics<arbitrary>], iteration_bounds = array<i64: 2>, scalar_prefetch = 0 : i64, scratch_operands = 0 : i64, tpu.core_type = #tpu.core_type<tc>, window_params = [{transform_indices = @transform_0, window_bounds = array<i64: 16384, 128>}, {transform_indices = @transform_1, window_bounds = array<i64: 16384>}, {pipeline_mode = #tpu.pipeline_mode<synchronous>, transform_indices = @transform_2, window_bounds = array<i64: 128, 128>}, {pipeline_mode = #tpu.pipeline_mode<synchronous>, transform_indices = @transform_3, window_bounds = array<i64: 1, 128>}, {transform_indices = @transform_4, window_bounds = array<i64: 16384, 128>}]} {
    %get3A = arith.constant 0 : index
    %get3A_0 = arith.constant 0 : index
    %get3A_1 = vector.load %arg1[%get3A, %get3A_0] : memref<16384x128xf32, #tpu.memory_space<vmem>>, vector<16384x128xf32>
    %get3A_2 = arith.constant 0 : index
    %get3A_3 = arith.constant 0 : index
    %get3A_4 = vector.load %arg3[%get3A_2, %get3A_3] : memref<128x128xf32, #tpu.memory_space<vmem>>, vector<128x128xf32>
    %dot_general3A = arith.constant dense<0.000000e+00> : vector<16384x128xf32>
    %dot_general3A_5 = tpu.matmul %get3A_1, %get3A_4, %dot_general3A {dimension_numbers = #tpu.dot_dimension_numbers<[1], [1], [0], [0], [0, 0, 1, 0], [], []>, transpose_lhs_hint = false} : vector<16384x128xf32>, vector<128x128xf32>, vector<16384x128xf32> -> vector<16384x128xf32>
    %get3A_6 = arith.constant 0 : index
    %get3A_7 = vector.load %arg2[%get3A_6] : memref<16384xf32, #tpu.memory_space<vmem>>, vector<16384xf32>
    %reshape3A = vector.shape_cast %get3A_7 : vector<16384xf32> to vector<16384x1xf32>
    %gt3A = arith.constant 0.000000e+00 : f32
    %gt3A_8 = vector.broadcast %gt3A : f32 to vector<16384x1xf32>
    %gt3A_9 = arith.cmpf ogt, %reshape3A, %gt3A_8 : vector<16384x1xf32>
    %get3A_10 = arith.constant 0 : index
    %get3A_11 = arith.constant 0 : index
    %get3A_12 = vector.load %arg4[%get3A_10, %get3A_11] : memref<1x128xf32, #tpu.memory_space<vmem>>, vector<1x128xf32>
    %add3A = vector.broadcast %get3A_12 : vector<1x128xf32> to vector<16384x128xf32>
    %add3A_13 = arith.addf %dot_general3A_5, %add3A : vector<16384x128xf32>
    %jit3A = arith.constant 0.000000e+00 : f32
    %broadcast_in_dim3A = vector.shape_cast %gt3A_9 : vector<16384x1xi1> to vector<16384x1xi1>
    %broadcast_in_dim3A_14 = vector.broadcast %broadcast_in_dim3A : vector<16384x1xi1> to vector<16384x128xi1>
    %broadcast_in_dim3A_15 = vector.broadcast %jit3A : f32 to vector<16384x128xf32>
    %select_n3A = arith.select %broadcast_in_dim3A_14, %add3A_13, %broadcast_in_dim3A_15 : vector<16384x128xi1>, vector<16384x128xf32>
    %swap3A = arith.constant 0 : index
    %swap3A_16 = arith.constant 0 : index
    %swap3A_17 = vector.load %arg5[%swap3A, %swap3A_16] : memref<16384x128xf32, #tpu.memory_space<vmem>>, vector<16384x128xf32>
    tpu.vector_store %arg5[%swap3A, %swap3A_16], %select_n3A {strides = array<i32>} : memref<16384x128xf32, #tpu.memory_space<vmem>>, vector<16384x128xf32>,
    return
  }
  func.func @transform_0(%arg0: i32) -> (i32, i32) {
    %c0_i32 = arith.constant 0 : i32
    %c0_i32_0 = arith.constant 0 : i32
    return %arg0, %c0_i32 : i32, i32
  }
  func.func @transform_1(%arg0: i32) -> i32 {
    %c0_i32 = arith.constant 0 : i32
    return %arg0 : i32
  }
  func.func @transform_2(%arg0: i32) -> (i32, i32) {
    %c0_i32 = arith.constant 0 : i32
    %c0_i32_0 = arith.constant 0 : i32
    %c0_i32_1 = arith.constant 0 : i32
    return %c0_i32, %c0_i32_0 : i32, i32
  }
  func.func @transform_3(%arg0: i32) -> (i32, i32) {
    %c0_i32 = arith.constant 0 : i32
    %c0_i32_0 = arith.constant 0 : i32
    %c0_i32_1 = arith.constant 0 : i32
    return %c0_i32, %c0_i32_0 : i32, i32
  }
  func.func @transform_4(%arg0: i32) -> (i32, i32) {
    %c0_i32 = arith.constant 0 : i32
    %c0_i32_0 = arith.constant 0 : i32
    return %arg0, %c0_i32 : i32, i32
  }
}

</mosaic_0001>

<sc_bundles>
// kernel: kernel.4.cloned.1.call-start
scs
__scs_entry_jumppad:
0x0: {  	(pc) =	sbr.rel $0x88, $3  }
0x1: {  	(tag) =	ssettag $0x0;
	lr =	simm.s32 $0x1  }
0x2: {  	[smem:$0x3F9D] =	sst lr;
	_ =	strace $0xD0000000  }
0x3: {  	_ = 	snop  }
0x4: {  	_ = 	snop  }
0x5: {  	_ = 	snop  }
0x6: {  	_ = 	snop  }
0x7: {  	_ = 	snop  }
__scs_overlays_trampoline_lowered:
0x8: {  	[smem:$0x3FAC] =	sst s0  }
0x9: {  	[smem:$0x3FAD] =	sst s1  }
0xa: {  	[smem:$0x3FAE] =	sst s2  }
0xb: {  	[smem:$0x3FAF] =	sst s3  }
0xc: {  	[smem:$0x3FB0] =	sst s4  }
0xd: {  	[smem:$0x3FB1] =	sst s5  }
0xe: {  	[smem:$0x3FB2] =	sst s6  }
0xf: {  	[smem:$0x3FB3] =	sst s7  }
0x10: {  	[smem:$0x3FB4] =	sst s8  }
0x11: {  	[smem:$0x3FB5] =	sst s9;
	s0 =	simm.s32 @!p0 $0x0  }
0x12: {  	s1 =	sld [smem:$0x3F9B];
	s0 =	simm.s32 @p0 $0x1  }
0x13: {  	[smem:$0x3FB6] =	sst s0;
	s0 =	simm.s32 @!p1 $0x0  }
0x14: {  	s2 =	sld [smem:$0x3F9A];
	s0 =	simm.s32 @p1 $0x1  }
0x15: {  	[smem:$0x3FB7] =	sst s0;
	s0 =	simm.s32 @!p2 $0x0  }
0x16: {  	s3 =	sld [smem:$0x3FDB];
	s0 =	simm.s32 @p2 $0x1  }
0x17: {  	s4 =	simm.s32 $0x1BF5;
	[smem:$0x3FB9] =	sst s0  }
0x18: {  	s0 =	sld [smem:$0x3F9C];
	_ =	swait.ge [sflag:s4], $0x0  }
0x19: {  	s7 =	sld [smem:$0x3F9D]  }
0x1a: {  	s8 =	sadd.s32 $0xFFFFE003, lr  }
0x1b: {  	s9 =	sadd.s32 $0xFFFFFEF7, lr;
	s5 =	simm.s32 $0xFFFFFFFF;
	p2 =	slt.u32 s8, $0xFFFFF086  }
0x1c: {  	p1 =	slt.u32 s9, $0xF7A;
	s5 =	simm.s32 @!p2 $0x0  }
0x1d: {  	s5 =	simm.s32 @p1 $0x1;
	p0 =	seq.s32 s7, s2  }
0x1e: {  	s7 =	smul.u32 @!p0 $0xF7A, s2;
	p2 =	seq.s32 @!p0 s5, $0x0  }
0x1f: {  	s9 =	smul.u32 $0xF7A, s1;
	s8 =	simm.s32 @!p0 $0x1BF5;
	p2 =	por !p2, p0  }
0x20: {  	[sflag:s8] =	ssyncset.s32 @!p0 $0xFFFFF086;
	s6 =	sadd.s32 @!p0 s3, s7;
	s7 =	simm.s32 @!p0 $0x108  }
0x21: {  	s3 =	sadd.s32 s3, s9;
	s6 =	sadd.s32 @!p0 $0x88, s6;
	s7 =	simm.s32 @p2 $0x1082  }
0x22: {  	[simem:s7], [sflag:s8] =	dma.local @!p0 [hbm:s6], $0xF7A  }
0x23: {  	s9 =	sor.u32 $0xD0000000, s2;
	s6 =	simm.s32 $0x108;
	_ =	swait.ge @!p0 [sflag:s8], $0x0  }
0x24: {  	s3 =	sadd.s32 $0x88, s3;
	s6 =	simm.s32 @!p1 $0x1082;
	[sflag:s4] =	ssyncset.s32 $0xFFFFF086  }
0x25: {  	[simem:s6], [sflag:s4] =	dma.local [hbm:s3], $0xF7A  }
0x26: {  	[smem:$0x3F9D] =	sst s1;
	(tag) =	ssettag s2;
	_ =	strace s9  }
0x27: {  	s1 =	sld [smem:$0x3FAD]  }
0x28: {  	s2 =	sld [smem:$0x3FAE]  }
0x29: {  	s4 =	sld [smem:$0x3FB0]  }
0x2a: {  	p0 =	seq.s32 s5, $0x0;
	s5 =	sld [smem:$0x3FB1]  }
0x2b: {  	s6 =	sld [smem:$0x3FB2]  }
0x2c: {  	s7 =	sld [smem:$0x3FB3]  }
0x2d: {  	s3 =	simm.s32 $0x108;
	s8 =	sld [smem:$0x3FB4]  }
0x2e: {  	s3 =	simm.s32 @!p0 $0x1082;
	s9 =	sld [smem:$0x3FB5]  }
0x2f: {  	lr =	sadd.s32 s0, s3;
	s0 =	sld [smem:$0x3FAC]  }
0x30: {  	s3 =	sld [smem:$0x3FAF]  }
0x31: {  	[smem:$0x3FB8] =	sst s10  }
0x32: {  	s10 =	sld [smem:$0x3FB6];
	_ =	sdelay $0x3  }
0x33: {  	p0 =	seq.s32 s10, $0x1;
	s10 =	sld [smem:$0x3FB8];
	_ =	sdelay $0x3  }
0x34: {  	[smem:$0x3FB8] =	sst s10  }
0x35: {  	s10 =	sld [smem:$0x3FB7];
	_ =	sdelay $0x3  }
0x36: {  	p1 =	seq.s32 s10, $0x1;
	s10 =	sld [smem:$0x3FB8];
	_ =	sdelay $0x3  }
0x37: {  	[smem:$0x3FB8] =	sst s10  }
0x38: {  	s10 =	sld [smem:$0x3FB9]  }
0x39: {  	_ = 	snop;
	(pc) =	sbr.ind lr, $3  }
0x3a: {  	_ = 	snop  }
0x3b: {  	_ = 	snop  }
0x3c: {  	p2 =	seq.s32 s10, $0x1;
	s10 =	sld [smem:$0x3FB8]  }
0x3d: {  	_ =	shalt  }
0x3e: {  	_ =	shalt  }
0x3f: {  	_ =	shalt  }
0x40: {  	_ =	shalt  }
0x41: {  	_ =	shalt  }
0x42: {  	_ =	shalt  }
0x43: {  	_ =	shalt  }
0x44: {  	_ =	shalt  }
0x45: {  	_ =	shalt  }
0x46: {  	_ =	shalt  }
0x47: {  	_ =	shalt  }
0x48: {  	_ =	shalt  }
0x49: {  	_ =	shalt  }
0x4a: {  	_ =	shalt  }
0x4b: {  	_ =	shalt  }
0x4c: {  	_ =	shalt  }
0x4d: {  	_ =	shalt  }
0x4e: {  	_ =	shalt  }
0x4f: {  	_ =	shalt  }
0x50: {  	_ =	shalt  }
0x51: {  	_ =	shalt  }
0x52: {  	_ =	shalt  }
0x53: {  	_ =	shalt  }
0x54: {  	_ =	shalt  }
0x55: {  	_ =	shalt  }
0x56: {  	_ =	shalt  }
0x57: {  	_ =	shalt  }
0x58: {  	_ =	shalt  }
0x59: {  	_ =	shalt  }
0x5a: {  	_ =	shalt  }
0x5b: {  	_ =	shalt  }
0x5c: {  	_ =	shalt  }
0x5d: {  	_ =	shalt  }
0x5e: {  	_ =	shalt  }
0x5f: {  	_ =	shalt  }
0x60: {  	_ =	shalt  }
0x61: {  	_ =	shalt  }
0x62: {  	_ =	shalt  }
0x63: {  	_ =	shalt  }
0x64: {  	_ =	shalt  }
0x65: {  	_ =	shalt  }
0x66: {  	_ =	shalt  }
0x67: {  	_ =	shalt  }
0x68: {  	_ =	shalt  }
0x69: {  	_ =	shalt  }
0x6a: {  	_ =	shalt  }
0x6b: {  	_ =	shalt  }
0x6c: {  	_ =	shalt  }
0x6d: {  	_ =	shalt  }
0x6e: {  	_ =	shalt  }
0x6f: {  	_ =	shalt  }
0x70: {  	_ =	shalt  }
0x71: {  	_ =	shalt  }
0x72: {  	_ =	shalt  }
0x73: {  	_ =	shalt  }
0x74: {  	_ =	shalt  }
0x75: {  	_ =	shalt  }
0x76: {  	_ =	shalt  }
0x77: {  	_ =	shalt  }
0x78: {  	_ =	shalt  }
0x79: {  	_ =	shalt  }
0x7a: {  	_ =	shalt  }
0x7b: {  	_ =	shalt  }
0x7c: {  	_ =	shalt  }
0x7d: {  	_ =	shalt  }
0x7e: {  	_ =	shalt  }
0x7f: {  	_ =	shalt  }
0x80: {  	_ =	shalt  }
0x81: {  	_ =	shalt  }
0x82: {  	_ =	shalt  }
0x83: {  	_ =	shalt  }
0x84: {  	_ =	shalt  }
0x85: {  	_ =	shalt  }
0x86: {  	_ =	shalt  }
0x87: {  	_ =	shalt  }
.Lfunc_end0:
.L_simem_size_0:
called_computation_lowered:
.L_overlay_start_0:
0x88: {  	s2 =	sld [smem:$0x3FD9]  }
0x89: {  	s3 =	sld [smem:$0x3FFE];
	_ =	sdelay $0x1  }
0x8a: {  	s1 =	srdreg.scid  }
0x8b: {  	s0 =	sand.u32 $0x1, s1  }
0x8c: {  	s18 =	sshll.u32 s0, $0xA;
	s2 =	sadd.s32 s3, s2  }
0x8d: {  	s2 =	sadd.s32 s2, s18  }
0x8e: {  	[smem:$0x3FC4] =	sst s2  }
0x8f: {  	_ = 	snop  }
0x90: {  	s2 =	sld [smem:$0x3FC8]  }
0x91: {  	s19 =	sld [smem:$0x3FD0];
	(tm) =	ssettm $0x1  }
0x92: {  	s4 =	sld [smem:$0x3FFB];
	_ =	sdelay $0x3  }
0x93: {  	_ =	strace s4  }
0x94: {  	s4 =	sld [smem:$0x3FFC];
	_ =	sdelay $0x3  }
0x95: {  	_ =	strace s4  }
0x96: {  	s4 =	sld [smem:$0x3FFD];
	_ =	sdelay $0x3  }
0x97: {  	_ =	strace s4  }
0x98: {  	_ =	strace $0x8FFFFFFF  }
0x99: {  	s20 =	sld [smem:$0x3FDB];
	_ =	sdelay $0x1  }
0x9a: {  	s5 =	simm.s32 $_scs_section_size  }
0x9b: {  	s6 =	simm.s32 $_size__tile_overlayer_lowered;
	s7 =	simm.s32 $_tile_overlayer_lowered  }
0x9c: {  	s23 =	simm.s32 $0x1BFF;
	s22 =	sshll.u32 s7, $0x1;
	s4 =	sadd.s32 s5, s20  }
0x9d: {  	s8 =	simm.s32 $0x0;
	s21 =	sshll.u32 s6, $0x1;
	s6 =	sadd.s32 s22, s4  }
0x9e: {  	[timem:s8], [sflag:s23] =	dma.local [hbm:s6], s21  }
0x9f: {  	_ =	swait.ge [sflag:s23], s21  }
0xa0: {  	s5 =	ssub.s32 $0x0, s21;
	[sflag:s23] =	ssyncset.done $0x0  }
0xa1: {  	[sflag:s23] =	ssyncadd.s32 s5;
	_ =	sdelay $0x1  }
0xa2: {  	s24 =	simm.s32 $0x1B8B  }
0xa3: {  	_ =	swait.ge [sflag:s24], $0x1  }
0xa4: {  	[sflag:s24] =	ssyncset.done $0x0  }
0xa5: {  	s25 =	simm.s32 $0x1B8E;
	[sflag:s24] =	ssyncadd.s32 $0xFFFFFFFF  }
0xa6: {  	s26 =	simm.s32 $execute0_lowered;
	[smem:$0x3FD2] =	sst s25  }
0xa7: {  	s5 =	sshll.u32 s26, $0x1;
	_ =	strace $0x80000046;
	[dreg:$0x1] =	wrdreg $0xFFFFFFFF  }
0xa8: {  	s28 =	simm.s32 $_size_execute0_lowered;
	s4 =	sadd.s32 s4, s5;
	[dreg:$0x0] =	wrdreg $0x0  }
0xa9: {  	s5 =	sshll.u32 s28, $0x1;
	[dreg:$0x2] =	wrdreg s4  }
0xaa: {  	[dreg:$0x3] =	wrdreg s5  }
0xab: {  	[dreg:$0x4] =	wrdreg $0xC0  }
0xac: {  	_ =	task [dreg:s8], $0x5FFFF  }
0xad: {  	[dreg:$0x1] =	wrdreg $0xFFFFFFFF  }
0xae: {  	[dreg:$0x0] =	wrdreg $0x60  }
0xaf: {  	[dreg:$0x2] =	wrdreg s2  }
0xb0: {  	[dreg:$0x3] =	wrdreg s19  }
0xb1: {  	[dreg:$0x4] =	wrdreg $0x9  }
0xb2: {  	_ =	task.clear_ibuf [dreg:s8], $0x5FFFF;
	_ =	strace $0x90000046  }
0xb3: {  	s29 =	simm.s32 $0x9;
	_ =	strace $0x80000048  }
0xb4: {  	_ =	swait.ge [sflag:s29], $0x1  }
0xb5: {  	[sflag:s29] =	ssyncadd.s32 $0xFFFFFFFF  }
0xb6: {  	_ =	strace $0x90000048  }
0xb7: {  	_ =	sfence  }
0xb8: {  	s30 =	sld [smem:$0x0];
	_ =	sdelay $0x2  }
0xb9: {  	s31 =	sshll.u32 s1, $0xD;
	s1 =	sshrl.u32 s1, $0x2  }
0xba: {  	s3 =	sand.u32 $0x4000, s31;
	s1 =	sadd.s32 s1, s30  }
0xbb: {  	s0 =	sor.u32 s3, s0;
	s1 =	sshll.u32 s1, $0x11  }
0xbc: {  	s0 =	sor.u32 s1, s0  }
0xbd: {  	s0 =	sadd.s32 $0x8F2B, s0  }
0xbe: {  	[sflag:s0] =	ssyncadd.remote.s32 $0x1  }
0xbf: {  	_ =	sfence.sel $0xFFFF  }
0xc0: {  	[dreg:$0x0] =	wrdreg $0xFFFFFFFF;
	(pc) =	sbr.abs _section_cstart, $3  }
0xc1: {  	[dreg:$0x1] =	wrdreg $0xFFFFFFFF  }
0xc2: {  	_ =	task.clear_ibuf [dreg:s8], $0x2FFFF;
	_ =	strace $0x9FFFFFFF  }
0xc3: {  	(tm) =	ssettm $0x7FFFFFFF  }
tec
execute0_lowered:
.L_overlay_start_1:
0x0: {  	(tag) =	ssettag $0x1  }
0x1: {  	s3 =	rddreg [dreg:$0x0]  }
0x2: {  	s4 =	rddreg [dreg:$0x1]  }
0x3: {  	s0 =	rddreg [dreg:$0x2];
	s2 =	simm.s32 $0x0;
	s5 =	srdreg.scid  }
0x4: {  	s1 =	stileid.u32;
	[smem:$0x7FF] =	sst s2;
	s5 =	sand.u32 $0x1, s5  }
0x5: {  	s7 =	sshll.u32 s1, $0x1;
	s29 =	sshll.u32 s1, $0x6;
	_ =	strace $0x80000047  }
0x6: {  	s6 =	ssub.s32 $0x2, s5;
	s5 =	sor.u32 s5, s7;
	s7 =	sand.u32 $0x300, s29  }
0x7: {  	s8 =	sshrl.u32 s6, $0x1;
	s30 =	sshll.u32 s5, $0xA;
	s3 =	sadd.s32 s3, s7  }
0x8: {  	s5 =	sshll.u32 s5, $0x7;
	s6 =	ssub.s32 s6, s8;
	s8 =	sand.u32 $0x1C00, s30  }
0x9: {  	v2 =	vimm.f32 $0.0e+00;
	s7 =	simm.s32 $0x800;
	s4 =	sadd.s32 s4, s5;
	s31 =	sadd.s32 $0x400, s8  }
0xa: {  	v3 =	vimm.f32 $1.000000000e+00;
	v0 =	vmov s8;
	s5 =	smax.u32 s6, $0x1;
	s6 =	simm.s32 $0x1;
	s8 =	simm.s32 $0x0;
	v1 =	vmov s31  }
.LBB2_1:
0xb: {  	[tilespmem:s2], [sflag:$0x1] =	stream.linear.gather [hbm4b:s3+s2], $0x800, $0x38;
	[tilespmem:$0xC00] =	vst v63  }
0xc: {  	_ =	swait.ge [sflag:s6], $0x800  }
0xd: {  	[sflag:s6] =	ssyncset.done $0x0  }
0xe: {  	s9 =	simm.s32 $0x0;
	[sflag:s6] =	ssyncadd.s32 $0xFFFFF800  }
.LBB2_2:
0xf: {  	p0 =	sne.s32 s9, $0xFC0  }
.Ltmp0:
0x10: {  	_ = 	snop;
	(pc) =	sbr.rel @p0 .LBB2_2-.Ltmp0, $3  }
0x11: {  	_ =	sdelay $0x1  }
0x12: {  	s10 =	sshra.s32 s9, $0x2  }
0x13: {  	s9 =	sadd.s32 $0x40, s9;
	[tilespmem:s10+$0x800] =	vst v2  }
0x14: {  	s9 =	simm.s32 $0x0  }
.LBB2_4:
0x15: {  	s10 =	sshra.s32 s9, $0x2  }
0x16: {  	v4 =	vld [tilespmem:s10+$0x0];
	_ =	sdelay $0x4  }
0x17: {  	vm0 =	vge.s32 v4, v0;
	vm1 =	vlt.s32 v4, v1  }
0x18: {  	v4 =	vsub.s32 v4, v0;
	vm0 =	vmand vm0, vm1  }
0x19: {  	v4 =	vnsel vm0, $0x0, v4;
	_ =	sdelay $0x4  }
0x1a: {  	[tilespmem:v4+s7+$0x0] =	vst.idx.msk vm0, v3  }
0x1b: {  	v4 =	vld [tilespmem:s10+$0x10];
	_ =	sdelay $0x4  }
0x1c: {  	vm10 =	vge.s32 v4, v0;
	vm11 =	vlt.s32 v4, v1  }
0x1d: {  	v4 =	vsub.s32 v4, v0;
	vm0 =	vmand vm10, vm11  }
0x1e: {  	v4 =	vnsel vm0, $0x0, v4;
	_ =	sdelay $0x4  }
0x1f: {  	[tilespmem:v4+s7+$0x0] =	vst.idx.msk vm0, v3  }
0x20: {  	v4 =	vld [tilespmem:s10+$0x20];
	_ =	sdelay $0x4  }
0x21: {  	vm12 =	vge.s32 v4, v0;
	vm13 =	vlt.s32 v4, v1  }
0x22: {  	v4 =	vsub.s32 v4, v0;
	vm0 =	vmand vm12, vm13  }
0x23: {  	v4 =	vnsel vm0, $0x0, v4;
	_ =	sdelay $0x4  }
0x24: {  	[tilespmem:v4+s7+$0x0] =	vst.idx.msk vm0, v3  }
0x25: {  	v4 =	vld [tilespmem:s10+$0x30];
	_ =	sdelay $0x4  }
0x26: {  	vm14 =	vge.s32 v4, v0;
	vm15 =	vlt.s32 v4, v1  }
0x27: {  	v4 =	vsub.s32 v4, v0;
	vm0 =	vmand vm14, vm15  }
0x28: {  	p0 =	sne.s32 s9, $0x1F00;
	v4 =	vnsel vm0, $0x0, v4  }
.Ltmp1:
0x29: {  	_ = 	snop;
	(pc) =	sbr.rel @p0 .LBB2_4-.Ltmp1, $2  }
0x2a: {  	_ =	sdelay $0x2  }
0x2b: {  	s9 =	sadd.s32 $0x100, s9;
	[tilespmem:v4+s7+$0x0] =	vst.idx.msk vm0, v3  }
0x2c: {  	s8 =	sadd.s32 $0x1, s8  }
0x2d: {  	p0 =	sne.s32 s8, s5  }
.Ltmp2:
0x2e: {  	_ = 	snop;
	(pc) =	sbr.rel @p0 .LBB2_1-.Ltmp2, $4  }
0x2f: {  	[hbm4b:s4+s2] =	stream.linear.scatter [tilespmem:s7], [sflag:$0x1], $0x400, $0x38;
	[tilespmem:$0xC00] =	vst v63  }
0x30: {  	_ =	swait.ge [sflag:s6], $0x400  }
0x31: {  	[sflag:s6] =	ssyncset.done $0x0  }
0x32: {  	[sflag:s6] =	ssyncadd.s32 $0xFFFFFC00  }
0x33: {  	_ =	sfence.sel $0x180000  }
0x34: {  	[bflag:$0x0] =	sbarrier.arrive $0xFFFF  }
0x35: {  	p0 =	sne.s32 s1, $0x0;
	_ =	strace $0x90000047  }
0x36: {  	s0 =	sadd.s32 @!p0 $0x100000, s0;
	[bflag:$0x2] =	sbarrier.arrive $0xFFFF  }
0x37: {  	[sflag:s0] =	ssyncadd.tile.s32 @!p0 $0x1;
	_ =	shalt  }
.Lfunc_end2:
_tile_overlayer_lowered:
.L_overlay_start_2:
0x38: {  	(tag) =	ssettag $0x2  }
0x39: {  	s0 =	rddreg [dreg:$0x0];
	s2 =	stileid.u32  }
0x3a: {  	s1 =	rddreg [dreg:$0x1];
	p0 =	sne.s32 s2, $0x0  }
0x3b: {  	s3 =	rddreg [dreg:$0x2];
	[bflag:$0x3] =	sbarrier.arrive $0xFFFF;
	s2 =	simm.s32 @!p0 $0x1C01  }
0x3c: {  	[timem:s3], [sflag:s2] =	dma.local @!p0 [hbm:s0], s1  }
0x3d: {  	s0 =	simm.s32 @!p0 $0x1  }
0x3e: {  	_ =	swait.ge @!p0 [sflag:s0], s1  }
0x3f: {  	s1 =	ssub.s32 @!p0 $0x0, s1;
	[sflag:s0] =	ssyncset.done @!p0 $0x0  }
0x40: {  	[sflag:s0] =	ssyncadd.s32 @!p0 s1  }
0x41: {  	[bflag:$0x3] =	sbarrier.arrive $0xFFFF  }
0x42: {  	_ =	shalt  }

</sc_bundles>
